<compile_context>
chip_gen: v7x
topology: tpu7x:2x2x1
jax: 0.10.2.dev20260603
libtpu: 0.0.44.dev20260713+nightly
codegen_flags: <defaults>
</compile_context>

<pallas_src>
import functools

import jax
import jax.numpy as jnp
from jax import lax
from jax.experimental import pallas as pl
from jax.experimental.pallas import tpu as pltpu
from jax.experimental.pallas import tpu_sc as plsc

VOCAB = 100000
EMBED = 128
HIDDEN = 1024
OUT = 45
WINDOW = 7
BATCH = 4096
FLAT = BATCH * WINDOW
NUM_WORKERS = 32
BPW = FLAT // NUM_WORKERS
CHUNK = 128
NCHUNK = BPW // CHUNK

BM = 1024


_sc_mesh = plsc.VectorSubcoreMesh(core_axis_name="c", subcore_axis_name="s")


@functools.partial(
    pl.kernel,
    mesh=_sc_mesh,
    out_type=jax.ShapeDtypeStruct((FLAT, EMBED), jnp.float32),
    scratch_types=[
        pltpu.VMEM((NCHUNK, CHUNK), jnp.int32),
        pltpu.VMEM((BPW, EMBED), jnp.float32),
        pltpu.SemaphoreType.DMA,
        pltpu.SemaphoreType.DMA,
    ],
)
def _sc_gather(idx_hbm, table_hbm, out_hbm, idx_v, rows_v, gsem, osem):
    wid = lax.axis_index("s") * 2 + lax.axis_index("c")
    base = wid * BPW
    i1 = pltpu.async_copy(idx_hbm.at[wid, pl.ds(0, 1)], idx_v.at[pl.ds(0, 1)], osem)
    i2 = pltpu.async_copy(
        idx_hbm.at[wid, pl.ds(1, NCHUNK - 1)], idx_v.at[pl.ds(1, NCHUNK - 1)], osem
    )
    gathers = []
    i1.wait()
    gathers.append(
        pltpu.async_copy(table_hbm.at[idx_v.at[0]], rows_v.at[pl.ds(0, CHUNK)], gsem)
    )
    i2.wait()
    for j in range(1, NCHUNK):
        gathers.append(
            pltpu.async_copy(
                table_hbm.at[idx_v.at[j]],
                rows_v.at[pl.ds(j * CHUNK, CHUNK)],
                gsem,
            )
        )
    half = 4 * CHUNK
    for cp in gathers[:4]:
        cp.wait()
    o1 = pltpu.async_copy(
        rows_v.at[pl.ds(0, half)], out_hbm.at[pl.ds(base, half)], osem
    )
    for cp in gathers[4:]:
        cp.wait()
    o2 = pltpu.async_copy(
        rows_v.at[pl.ds(half, BPW - half)],
        out_hbm.at[pl.ds(base + half, BPW - half)],
        osem,
    )
    o1.wait()
    o2.wait()


def _mlp_body(x_ref, w1_ref, b1_ref, w2_ref, b2_ref, o_ref, w1bf):
    @pl.when(pl.program_id(0) == 0)
    def _():
        w1bf[...] = w1_ref[...].astype(jnp.bfloat16)

    h = jnp.dot(
        x_ref[0].astype(jnp.bfloat16), w1bf[0],
        preferred_element_type=jnp.float32,
    )
    for p in range(1, WINDOW):
        h = h + jnp.dot(
            x_ref[p].astype(jnp.bfloat16), w1bf[p],
            preferred_element_type=jnp.float32,
        )
    h = jnp.maximum(h + b1_ref[...], 0.0).astype(jnp.bfloat16)
    w2 = w2_ref[...].astype(jnp.bfloat16)
    logits = jnp.dot(h, w2, preferred_element_type=jnp.float32)
    logits = logits + b2_ref[...]
    m = jnp.max(logits, axis=1, keepdims=True)
    lse = jnp.log(jnp.sum(jnp.exp(logits - m), axis=1, keepdims=True)) + m
    o_ref[...] = logits - lse


_mlp = pl.pallas_call(
    _mlp_body,
    grid=(BATCH // BM,),
    in_specs=[
        pl.BlockSpec((WINDOW, BM, EMBED), lambda i: (0, i, 0)),
        pl.BlockSpec((WINDOW, EMBED, HIDDEN), lambda i: (0, 0, 0)),
        pl.BlockSpec((1, HIDDEN), lambda i: (0, 0)),
        pl.BlockSpec((HIDDEN, OUT), lambda i: (0, 0)),
        pl.BlockSpec((1, OUT), lambda i: (0, 0)),
    ],
    out_specs=pl.BlockSpec((BM, OUT), lambda i: (i, 0)),
    out_shape=jax.ShapeDtypeStruct((BATCH, OUT), jnp.float32),
    scratch_shapes=[pltpu.VMEM((WINDOW, EMBED, HIDDEN), jnp.bfloat16)],
)


def kernel(inputs, embedding, W1, b1, W2, b2):
    idx = inputs.T.reshape(NUM_WORKERS, NCHUNK, CHUNK).astype(jnp.int32)
    gathered = _sc_gather(idx, embedding)
    x = gathered.reshape(WINDOW, BATCH, EMBED)
    w1 = W1.reshape(WINDOW, EMBED, HIDDEN)
    return _mlp(x, w1, b1.reshape(1, HIDDEN), W2, b2.reshape(1, OUT))

# --- scband reference (transcript-rebuilt; emitter-appended) ---
"""Pipeline reference for scband-ffnn-pos-tagger-86225763434833 (READ-ONLY COPY).

The authoritative reference and input builder live on the scoring server;
editing this copy changes nothing except your own understanding.
"""

import jax, jax.numpy as jnp
import numpy as np

VOCAB = 100000
EMBED = 128
HIDDEN = 1024
OUT = 45
PREV = 3
SUCC = 3
BATCH = 4096
WINDOW = PREV + 1 + SUCC

def setup_inputs(seed: int = 0) -> dict:
    key = jax.random.key(seed)
    k_idx, k_emb, k_w1, k_b1, k_w2, k_b2 = jax.random.split(key, 6)
    inputs = jax.random.randint(k_idx, (BATCH, WINDOW), 0, VOCAB, dtype=jnp.int64 if jax.config.jax_enable_x64 else jnp.int32)
    embedding = jax.random.normal(k_emb, (VOCAB, EMBED), dtype=jnp.float32)
    fan_in1 = EMBED * WINDOW
    W1 = jax.random.normal(k_w1, (fan_in1, HIDDEN), dtype=jnp.float32) * (1.0 / np.sqrt(fan_in1))
    b1 = jax.random.normal(k_b1, (HIDDEN,), dtype=jnp.float32) * 0.01
    W2 = jax.random.normal(k_w2, (HIDDEN, OUT), dtype=jnp.float32) * (1.0 / np.sqrt(HIDDEN))
    b2 = jax.random.normal(k_b2, (OUT,), dtype=jnp.float32) * 0.01
    return {"inputs": inputs, "embedding": embedding, "W1": W1, "b1": b1, "W2": W2, "b2": b2}

def reference(inputs, embedding, W1, b1, W2, b2):
    prev_inputs = inputs[:, :PREV]
    current_input = inputs[:, PREV]
    succ_inputs = inputs[:, PREV + 1:]
    prev_embedded = jnp.take(embedding, prev_inputs, axis=0)
    current_embedded = jnp.take(embedding, current_input, axis=0)
    succ_embedded = jnp.take(embedding, succ_inputs, axis=0)
    prev_embedded = prev_embedded.reshape(prev_embedded.shape[0], -1)
    succ_embedded = succ_embedded.reshape(succ_embedded.shape[0], -1)
    combined = jnp.concatenate((prev_embedded, current_embedded, succ_embedded), axis=1)
    out_fc1 = jax.nn.relu(combined @ W1 + b1)
    out_fc2 = out_fc1 @ W2 + b2
    return jax.nn.log_softmax(out_fc2, axis=1)

if __name__ == "__main__":
    import jax
    _d = setup_inputs()
    print(jax.jit(kernel)(*tuple(_d.values())))

</pallas_src>

<mosaic_0001>
#map = affine_map<(d0, d1) -> (0, 0, 0)>
#map1 = affine_map<(d0, d1) -> (0, 0)>
module attributes {stable_mosaic.version = 14 : i64} {
  func.func @_sc_gather(%arg0: i32, %arg1: i32, %arg2: memref<32x7x128xi32, #tpu.memory_space<hbm>>, %arg3: memref<100000x128xf32, #tpu.memory_space<hbm>>, %arg4: memref<28672x128xf32, #tpu.memory_space<hbm>>, %arg5: memref<7x128xi32, #tpu.memory_space<vmem>>, %arg6: memref<896x128xf32, #tpu.memory_space<vmem>>, %arg7: memref<!tpu.dma_semaphore, #tpu.memory_space<semaphore_mem>>, %arg8: memref<!tpu.dma_semaphore, #tpu.memory_space<semaphore_mem>>) attributes {dimension_semantics = [#tpu.dimension_semantics<core_parallel>, #tpu.dimension_semantics<subcore_parallel>], iteration_bounds = array<i64: 2, 16>, scalar_prefetch = 0 : i64, scratch_operands = 4 : i64, tpu.core_type = #tpu.core_type<sc_vector_subcore>, window_params = [{transform_indices = #map}, {transform_indices = #map1}, {transform_indices = #map1}]} {
    %mul3A = arith.constant 2 : i32
    %mul3A_0 = arith.muli %arg1, %mul3A : i32
    %add3A = arith.addi %mul3A_0, %arg0 : i32
    %mul3A_1 = arith.constant 896 : i32
    %mul3A_2 = arith.muli %add3A, %mul3A_1 : i32
    %dma_start3A = arith.constant 0 : i32
    %dma_start3A_3 = arith.constant 0 : i32
    %dma_start3A_4 = tpu.memref_slice %arg5[%dma_start3A, %dma_start3A_3] : memref<7x128xi32, #tpu.memory_space<vmem>> -> memref<1x128xi32, #tpu.memory_space<vmem>>
    %dma_start3A_5 = arith.constant 0 : i32
    %dma_start3A_6 = arith.constant 0 : i32
    %dma_start3A_7 = tpu.memref_slice %arg2[%add3A, %dma_start3A_5, %dma_start3A_6] : memref<32x7x128xi32, #tpu.memory_space<hbm>> -> memref<1x1x128xi32, #tpu.memory_space<hbm>>
    %dma_start3A_8 = tpu.memref_squeeze %dma_start3A_7 : memref<1x1x128xi32, #tpu.memory_space<hbm>> -> memref<1x128xi32, #tpu.memory_space<hbm>>
    %dma_start3A_9 = arith.constant 0 : i32
    %dma_start3A_10 = arith.constant 0 : i32
    %dma_start3A_11 = tpu.memref_slice %arg5[%dma_start3A_9, %dma_start3A_10] : memref<7x128xi32, #tpu.memory_space<vmem>> -> memref<1x128xi32, #tpu.memory_space<vmem>>
    %dma_start3A_12 = arith.constant 0 : i32
    %dma_start3A_13 = arith.constant 0 : i32
    %dma_start3A_14 = tpu.memref_slice %arg2[%add3A, %dma_start3A_12, %dma_start3A_13] : memref<32x7x128xi32, #tpu.memory_space<hbm>> -> memref<1x1x128xi32, #tpu.memory_space<hbm>>
    %dma_start3A_15 = tpu.memref_squeeze %dma_start3A_14 : memref<1x1x128xi32, #tpu.memory_space<hbm>> -> memref<1x128xi32, #tpu.memory_space<hbm>>
    tpu.enqueue_dma source(%dma_start3A_15 : memref<1x128xi32, #tpu.memory_space<hbm>>) target(%dma_start3A_11 : memref<1x128xi32, #tpu.memory_space<vmem>>) target_semaphore(%arg8 : memref<!tpu.dma_semaphore, #tpu.memory_space<semaphore_mem>>)
    %dma_start3A_16 = arith.constant 1 : i32
    %dma_start3A_17 = arith.constant 0 : i32
    %dma_start3A_18 = tpu.memref_slice %arg5[%dma_start3A_16, %dma_start3A_17] : memref<7x128xi32, #tpu.memory_space<vmem>> -> memref<6x128xi32, #tpu.memory_space<vmem>>
    %dma_start3A_19 = arith.constant 1 : i32
    %dma_start3A_20 = arith.constant 0 : i32
    %dma_start3A_21 = tpu.memref_slice %arg2[%add3A, %dma_start3A_19, %dma_start3A_20] : memref<32x7x128xi32, #tpu.memory_space<hbm>> -> memref<1x6x128xi32, #tpu.memory_space<hbm>>
    %dma_start3A_22 = tpu.memref_squeeze %dma_start3A_21 : memref<1x6x128xi32, #tpu.memory_space<hbm>> -> memref<6x128xi32, #tpu.memory_space<hbm>>
    %dma_start3A_23 = arith.constant 1 : i32
    %dma_start3A_24 = arith.constant 0 : i32
    %dma_start3A_25 = tpu.memref_slice %arg5[%dma_start3A_23, %dma_start3A_24] : memref<7x128xi32, #tpu.memory_space<vmem>> -> memref<6x128xi32, #tpu.memory_space<vmem>>
    %dma_start3A_26 = arith.constant 1 : i32
    %dma_start3A_27 = arith.constant 0 : i32
    %dma_start3A_28 = tpu.memref_slice %arg2[%add3A, %dma_start3A_26, %dma_start3A_27] : memref<32x7x128xi32, #tpu.memory_space<hbm>> -> memref<1x6x128xi32, #tpu.memory_space<hbm>>
    %dma_start3A_29 = tpu.memref_squeeze %dma_start3A_28 : memref<1x6x128xi32, #tpu.memory_space<hbm>> -> memref<6x128xi32, #tpu.memory_space<hbm>>
    tpu.enqueue_dma source(%dma_start3A_29 : memref<6x128xi32, #tpu.memory_space<hbm>>) target(%dma_start3A_25 : memref<6x128xi32, #tpu.memory_space<vmem>>) target_semaphore(%arg8 : memref<!tpu.dma_semaphore, #tpu.memory_space<semaphore_mem>>)
    %dma_wait3A = arith.constant 0 : i32
    %dma_wait3A_30 = arith.constant 0 : i32
    %dma_wait3A_31 = tpu.memref_slice %arg5[%dma_wait3A, %dma_wait3A_30] : memref<7x128xi32, #tpu.memory_space<vmem>> -> memref<1x128xi32, #tpu.memory_space<vmem>>
    %dma_wait3A_32 = arith.constant 0 : i32
    %dma_wait3A_33 = arith.constant 0 : i32
    %dma_wait3A_34 = tpu.memref_slice %arg2[%add3A, %dma_wait3A_32, %dma_wait3A_33] : memref<32x7x128xi32, #tpu.memory_space<hbm>> -> memref<1x1x128xi32, #tpu.memory_space<hbm>>
    %dma_wait3A_35 = tpu.memref_squeeze %dma_wait3A_34 : memref<1x1x128xi32, #tpu.memory_space<hbm>> -> memref<1x128xi32, #tpu.memory_space<hbm>>
    %dma_wait3A_36 = arith.constant 0 : i32
    %dma_wait3A_37 = arith.constant 0 : i32
    %dma_wait3A_38 = tpu.memref_slice %arg5[%dma_wait3A_36, %dma_wait3A_37] : memref<7x128xi32, #tpu.memory_space<vmem>> -> memref<1x128xi32, #tpu.memory_space<vmem>>
    %dma_wait3A_39 = arith.constant 0 : i32
    %dma_wait3A_40 = arith.constant 0 : i32
    %dma_wait3A_41 = tpu.memref_slice %arg2[%add3A, %dma_wait3A_39, %dma_wait3A_40] : memref<32x7x128xi32, #tpu.memory_space<hbm>> -> memref<1x1x128xi32, #tpu.memory_space<hbm>>
    %dma_wait3A_42 = tpu.memref_squeeze %dma_wait3A_41 : memref<1x1x128xi32, #tpu.memory_space<hbm>> -> memref<1x128xi32, #tpu.memory_space<hbm>>
    tpu.wait_dma2 semaphore(%arg8 : memref<!tpu.dma_semaphore, #tpu.memory_space<semaphore_mem>>) src(%dma_wait3A_42 : memref<1x128xi32, #tpu.memory_space<hbm>>) dst(%dma_wait3A_38 : memref<1x128xi32, #tpu.memory_space<vmem>>)
    %dma_start3A_43 = arith.constant 0 : i32
    %dma_start3A_44 = arith.constant 0 : i32
    %dma_start3A_45 = arith.constant 0 : i32
    %dma_start3A_46 = tpu.memref_slice %arg6[%dma_start3A_44, %dma_start3A_45] : memref<896x128xf32, #tpu.memory_space<vmem>> -> memref<128x128xf32, #tpu.memory_space<vmem>>
    %dma_start3A_47 = arith.constant 0 : i32
    %dma_start3A_48 = tpu.memref_slice %arg5[%dma_start3A_43, %dma_start3A_47] : memref<7x128xi32, #tpu.memory_space<vmem>> -> memref<1x128xi32, #tpu.memory_space<vmem>>
    %dma_start3A_49 = tpu.memref_squeeze %dma_start3A_48 : memref<1x128xi32, #tpu.memory_space<vmem>> -> memref<128xi32, #tpu.memory_space<vmem>>
    %dma_start3A_50 = arith.constant 0 : i32
    %dma_start3A_51 = arith.constant 0 : i32
    %dma_start3A_52 = tpu.memref_slice %arg3[%dma_start3A_50, %dma_start3A_51] : memref<100000x128xf32, #tpu.memory_space<hbm>> -> memref<100000x128xf32, #tpu.memory_space<hbm>>
    tpu.enqueue_indirect_dma source(%dma_start3A_52 : memref<100000x128xf32, #tpu.memory_space<hbm>>) target(%dma_start3A_46 : memref<128x128xf32, #tpu.memory_space<vmem>>) offsets(%dma_start3A_49 : memref<128xi32, #tpu.memory_space<vmem>>) semaphore(%arg7 : memref<!tpu.dma_semaphore, #tpu.memory_space<semaphore_mem>>)
    %dma_wait3A_53 = arith.constant 1 : i32
    %dma_wait3A_54 = arith.constant 0 : i32
    %dma_wait3A_55 = tpu.memref_slice %arg5[%dma_wait3A_53, %dma_wait3A_54] : memref<7x128xi32, #tpu.memory_space<vmem>> -> memref<6x128xi32, #tpu.memory_space<vmem>>
    %dma_wait3A_56 = arith.constant 1 : i32
    %dma_wait3A_57 = arith.constant 0 : i32
    %dma_wait3A_58 = tpu.memref_slice %arg2[%add3A, %dma_wait3A_56, %dma_wait3A_57] : memref<32x7x128xi32, #tpu.memory_space<hbm>> -> memref<1x6x128xi32, #tpu.memory_space<hbm>>
    %dma_wait3A_59 = tpu.memref_squeeze %dma_wait3A_58 : memref<1x6x128xi32, #tpu.memory_space<hbm>> -> memref<6x128xi32, #tpu.memory_space<hbm>>
    %dma_wait3A_60 = arith.constant 1 : i32
    %dma_wait3A_61 = arith.constant 0 : i32
    %dma_wait3A_62 = tpu.memref_slice %arg5[%dma_wait3A_60, %dma_wait3A_61] : memref<7x128xi32, #tpu.memory_space<vmem>> -> memref<6x128xi32, #tpu.memory_space<vmem>>
    %dma_wait3A_63 = arith.constant 1 : i32
    %dma_wait3A_64 = arith.constant 0 : i32
    %dma_wait3A_65 = tpu.memref_slice %arg2[%add3A, %dma_wait3A_63, %dma_wait3A_64] : memref<32x7x128xi32, #tpu.memory_space<hbm>> -> memref<1x6x128xi32, #tpu.memory_space<hbm>>
    %dma_wait3A_66 = tpu.memref_squeeze %dma_wait3A_65 : memref<1x6x128xi32, #tpu.memory_space<hbm>> -> memref<6x128xi32, #tpu.memory_space<hbm>>
    tpu.wait_dma2 semaphore(%arg8 : memref<!tpu.dma_semaphore, #tpu.memory_space<semaphore_mem>>) src(%dma_wait3A_66 : memref<6x128xi32, #tpu.memory_space<hbm>>) dst(%dma_wait3A_62 : memref<6x128xi32, #tpu.memory_space<vmem>>)
    %dma_start3A_67 = arith.constant 1 : i32
    %dma_start3A_68 = arith.constant 128 : i32
    %dma_start3A_69 = arith.constant 0 : i32
    %dma_start3A_70 = tpu.memref_slice %arg6[%dma_start3A_68, %dma_start3A_69] : memref<896x128xf32, #tpu.memory_space<vmem>> -> memref<128x128xf32, #tpu.memory_space<vmem>>
    %dma_start3A_71 = arith.constant 0 : i32
    %dma_start3A_72 = tpu.memref_slice %arg5[%dma_start3A_67, %dma_start3A_71] : memref<7x128xi32, #tpu.memory_space<vmem>> -> memref<1x128xi32, #tpu.memory_space<vmem>>
    %dma_start3A_73 = tpu.memref_squeeze %dma_start3A_72 : memref<1x128xi32, #tpu.memory_space<vmem>> -> memref<128xi32, #tpu.memory_space<vmem>>
    %dma_start3A_74 = arith.constant 0 : i32
    %dma_start3A_75 = arith.constant 0 : i32
    %dma_start3A_76 = tpu.memref_slice %arg3[%dma_start3A_74, %dma_start3A_75] : memref<100000x128xf32, #tpu.memory_space<hbm>> -> memref<100000x128xf32, #tpu.memory_space<hbm>>
    tpu.enqueue_indirect_dma source(%dma_start3A_76 : memref<100000x128xf32, #tpu.memory_space<hbm>>) target(%dma_start3A_70 : memref<128x128xf32, #tpu.memory_space<vmem>>) offsets(%dma_start3A_73 : memref<128xi32, #tpu.memory_space<vmem>>) semaphore(%arg7 : memref<!tpu.dma_semaphore, #tpu.memory_space<semaphore_mem>>)
    %dma_start3A_77 = arith.constant 2 : i32
    %dma_start3A_78 = arith.constant 256 : i32
    %dma_start3A_79 = arith.constant 0 : i32
    %dma_start3A_80 = tpu.memref_slice %arg6[%dma_start3A_78, %dma_start3A_79] : memref<896x128xf32, #tpu.memory_space<vmem>> -> memref<128x128xf32, #tpu.memory_space<vmem>>
    %dma_start3A_81 = arith.constant 0 : i32
    %dma_start3A_82 = tpu.memref_slice %arg5[%dma_start3A_77, %dma_start3A_81] : memref<7x128xi32, #tpu.memory_space<vmem>> -> memref<1x128xi32, #tpu.memory_space<vmem>>
    %dma_start3A_83 = tpu.memref_squeeze %dma_start3A_82 : memref<1x128xi32, #tpu.memory_space<vmem>> -> memref<128xi32, #tpu.memory_space<vmem>>
    %dma_start3A_84 = arith.constant 0 : i32
    %dma_start3A_85 = arith.constant 0 : i32
    %dma_start3A_86 = tpu.memref_slice %arg3[%dma_start3A_84, %dma_start3A_85] : memref<100000x128xf32, #tpu.memory_space<hbm>> -> memref<100000x128xf32, #tpu.memory_space<hbm>>
    tpu.enqueue_indirect_dma source(%dma_start3A_86 : memref<100000x128xf32, #tpu.memory_space<hbm>>) target(%dma_start3A_80 : memref<128x128xf32, #tpu.memory_space<vmem>>) offsets(%dma_start3A_83 : memref<128xi32, #tpu.memory_space<vmem>>) semaphore(%arg7 : memref<!tpu.dma_semaphore, #tpu.memory_space<semaphore_mem>>)
    %dma_start3A_87 = arith.constant 3 : i32
    %dma_start3A_88 = arith.constant 384 : i32
    %dma_start3A_89 = arith.constant 0 : i32
    %dma_start3A_90 = tpu.memref_slice %arg6[%dma_start3A_88, %dma_start3A_89] : memref<896x128xf32, #tpu.memory_space<vmem>> -> memref<128x128xf32, #tpu.memory_space<vmem>>
    %dma_start3A_91 = arith.constant 0 : i32
    %dma_start3A_92 = tpu.memref_slice %arg5[%dma_start3A_87, %dma_start3A_91] : memref<7x128xi32, #tpu.memory_space<vmem>> -> memref<1x128xi32, #tpu.memory_space<vmem>>
    %dma_start3A_93 = tpu.memref_squeeze %dma_start3A_92 : memref<1x128xi32, #tpu.memory_space<vmem>> -> memref<128xi32, #tpu.memory_space<vmem>>
    %dma_start3A_94 = arith.constant 0 : i32
    %dma_start3A_95 = arith.constant 0 : i32
    %dma_start3A_96 = tpu.memref_slice %arg3[%dma_start3A_94, %dma_start3A_95] : memref<100000x128xf32, #tpu.memory_space<hbm>> -> memref<100000x128xf32, #tpu.memory_space<hbm>>
    tpu.enqueue_indirect_dma source(%dma_start3A_96 : memref<100000x128xf32, #tpu.memory_space<hbm>>) target(%dma_start3A_90 : memref<128x128xf32, #tpu.memory_space<vmem>>) offsets(%dma_start3A_93 : memref<128xi32, #tpu.memory_space<vmem>>) semaphore(%arg7 : memref<!tpu.dma_semaphore, #tpu.memory_space<semaphore_mem>>)
    %dma_start3A_97 = arith.constant 4 : i32
    %dma_start3A_98 = arith.constant 512 : i32
    %dma_start3A_99 = arith.constant 0 : i32
    %dma_start3A_100 = tpu.memref_slice %arg6[%dma_start3A_98, %dma_start3A_99] : memref<896x128xf32, #tpu.memory_space<vmem>> -> memref<128x128xf32, #tpu.memory_space<vmem>>
    %dma_start3A_101 = arith.constant 0 : i32
    %dma_start3A_102 = tpu.memref_slice %arg5[%dma_start3A_97, %dma_start3A_101] : memref<7x128xi32, #tpu.memory_space<vmem>> -> memref<1x128xi32, #tpu.memory_space<vmem>>
    %dma_start3A_103 = tpu.memref_squeeze %dma_start3A_102 : memref<1x128xi32, #tpu.memory_space<vmem>> -> memref<128xi32, #tpu.memory_space<vmem>>
    %dma_start3A_104 = arith.constant 0 : i32
    %dma_start3A_105 = arith.constant 0 : i32
    %dma_start3A_106 = tpu.memref_slice %arg3[%dma_start3A_104, %dma_start3A_105] : memref<100000x128xf32, #tpu.memory_space<hbm>> -> memref<100000x128xf32, #tpu.memory_space<hbm>>
    tpu.enqueue_indirect_dma source(%dma_start3A_106 : memref<100000x128xf32, #tpu.memory_space<hbm>>) target(%dma_start3A_100 : memref<128x128xf32, #tpu.memory_space<vmem>>) offsets(%dma_start3A_103 : memref<128xi32, #tpu.memory_space<vmem>>) semaphore(%arg7 : memref<!tpu.dma_semaphore, #tpu.memory_space<semaphore_mem>>)
    %dma_start3A_107 = arith.constant 5 : i32
    %dma_start3A_108 = arith.constant 640 : i32
    %dma_start3A_109 = arith.constant 0 : i32
    %dma_start3A_110 = tpu.memref_slice %arg6[%dma_start3A_108, %dma_start3A_109] : memref<896x128xf32, #tpu.memory_space<vmem>> -> memref<128x128xf32, #tpu.memory_space<vmem>>
    %dma_start3A_111 = arith.constant 0 : i32
    %dma_start3A_112 = tpu.memref_slice %arg5[%dma_start3A_107, %dma_start3A_111] : memref<7x128xi32, #tpu.memory_space<vmem>> -> memref<1x128xi32, #tpu.memory_space<vmem>>
    %dma_start3A_113 = tpu.memref_squeeze %dma_start3A_112 : memref<1x128xi32, #tpu.memory_space<vmem>> -> memref<128xi32, #tpu.memory_space<vmem>>
    %dma_start3A_114 = arith.constant 0 : i32
    %dma_start3A_115 = arith.constant 0 : i32
    %dma_start3A_116 = tpu.memref_slice %arg3[%dma_start3A_114, %dma_start3A_115] : memref<100000x128xf32, #tpu.memory_space<hbm>> -> memref<100000x128xf32, #tpu.memory_space<hbm>>
    tpu.enqueue_indirect_dma source(%dma_start3A_116 : memref<100000x128xf32, #tpu.memory_space<hbm>>) target(%dma_start3A_110 : memref<128x128xf32, #tpu.memory_space<vmem>>) offsets(%dma_start3A_113 : memref<128xi32, #tpu.memory_space<vmem>>) semaphore(%arg7 : memref<!tpu.dma_semaphore, #tpu.memory_space<semaphore_mem>>)
    %dma_start3A_117 = arith.constant 6 : i32
    %dma_start3A_118 = arith.constant 768 : i32
    %dma_start3A_119 = arith.constant 0 : i32
    %dma_start3A_120 = tpu.memref_slice %arg6[%dma_start3A_118, %dma_start3A_119] : memref<896x128xf32, #tpu.memory_space<vmem>> -> memref<128x128xf32, #tpu.memory_space<vmem>>
    %dma_start3A_121 = arith.constant 0 : i32
    %dma_start3A_122 = tpu.memref_slice %arg5[%dma_start3A_117, %dma_start3A_121] : memref<7x128xi32, #tpu.memory_space<vmem>> -> memref<1x128xi32, #tpu.memory_space<vmem>>
    %dma_start3A_123 = tpu.memref_squeeze %dma_start3A_122 : memref<1x128xi32, #tpu.memory_space<vmem>> -> memref<128xi32, #tpu.memory_space<vmem>>
    %dma_start3A_124 = arith.constant 0 : i32
    %dma_start3A_125 = arith.constant 0 : i32
    %dma_start3A_126 = tpu.memref_slice %arg3[%dma_start3A_124, %dma_start3A_125] : memref<100000x128xf32, #tpu.memory_space<hbm>> -> memref<100000x128xf32, #tpu.memory_space<hbm>>
    tpu.enqueue_indirect_dma source(%dma_start3A_126 : memref<100000x128xf32, #tpu.memory_space<hbm>>) target(%dma_start3A_120 : memref<128x128xf32, #tpu.memory_space<vmem>>) offsets(%dma_start3A_123 : memref<128xi32, #tpu.memory_space<vmem>>) semaphore(%arg7 : memref<!tpu.dma_semaphore, #tpu.memory_space<semaphore_mem>>)
    %dma_wait3A_127 = arith.constant 0 : i32
    %dma_wait3A_128 = arith.constant 0 : i32
    %dma_wait3A_129 = arith.constant 0 : i32
    %dma_wait3A_130 = tpu.memref_slice %arg6[%dma_wait3A_128, %dma_wait3A_129] : memref<896x128xf32, #tpu.memory_space<vmem>> -> memref<128x128xf32, #tpu.memory_space<vmem>>
    %dma_wait3A_131 = arith.constant 0 : i32
    %dma_wait3A_132 = tpu.memref_slice %arg5[%dma_wait3A_127, %dma_wait3A_131] : memref<7x128xi32, #tpu.memory_space<vmem>> -> memref<1x128xi32, #tpu.memory_space<vmem>>
    %dma_wait3A_133 = tpu.memref_squeeze %dma_wait3A_132 : memref<1x128xi32, #tpu.memory_space<vmem>> -> memref<128xi32, #tpu.memory_space<vmem>>
    %dma_wait3A_134 = arith.constant 0 : i32
    %dma_wait3A_135 = arith.constant 0 : i32
    %dma_wait3A_136 = tpu.memref_slice %arg3[%dma_wait3A_134, %dma_wait3A_135] : memref<100000x128xf32, #tpu.memory_space<hbm>> -> memref<100000x128xf32, #tpu.memory_space<hbm>>
    tpu.wait_indirect_dma semaphore(%arg7 : memref<!tpu.dma_semaphore, #tpu.memory_space<semaphore_mem>>) src(%dma_wait3A_136 : memref<100000x128xf32, #tpu.memory_space<hbm>>) dst(%dma_wait3A_130 : memref<128x128xf32, #tpu.memory_space<vmem>>)
    %dma_wait3A_137 = arith.constant 1 : i32
    %dma_wait3A_138 = arith.constant 128 : i32
    %dma_wait3A_139 = arith.constant 0 : i32
    %dma_wait3A_140 = tpu.memref_slice %arg6[%dma_wait3A_138, %dma_wait3A_139] : memref<896x128xf32, #tpu.memory_space<vmem>> -> memref<128x128xf32, #tpu.memory_space<vmem>>
    %dma_wait3A_141 = arith.constant 0 : i32
    %dma_wait3A_142 = tpu.memref_slice %arg5[%dma_wait3A_137, %dma_wait3A_141] : memref<7x128xi32, #tpu.memory_space<vmem>> -> memref<1x128xi32, #tpu.memory_space<vmem>>
    %dma_wait3A_143 = tpu.memref_squeeze %dma_wait3A_142 : memref<1x128xi32, #tpu.memory_space<vmem>> -> memref<128xi32, #tpu.memory_space<vmem>>
    %dma_wait3A_144 = arith.constant 0 : i32
    %dma_wait3A_145 = arith.constant 0 : i32
    %dma_wait3A_146 = tpu.memref_slice %arg3[%dma_wait3A_144, %dma_wait3A_145] : memref<100000x128xf32, #tpu.memory_space<hbm>> -> memref<100000x128xf32, #tpu.memory_space<hbm>>
    tpu.wait_indirect_dma semaphore(%arg7 : memref<!tpu.dma_semaphore, #tpu.memory_space<semaphore_mem>>) src(%dma_wait3A_146 : memref<100000x128xf32, #tpu.memory_space<hbm>>) dst(%dma_wait3A_140 : memref<128x128xf32, #tpu.memory_space<vmem>>)
    %dma_wait3A_147 = arith.constant 2 : i32
    %dma_wait3A_148 = arith.constant 256 : i32
    %dma_wait3A_149 = arith.constant 0 : i32
    %dma_wait3A_150 = tpu.memref_slice %arg6[%dma_wait3A_148, %dma_wait3A_149] : memref<896x128xf32, #tpu.memory_space<vmem>> -> memref<128x128xf32, #tpu.memory_space<vmem>>
    %dma_wait3A_151 = arith.constant 0 : i32
    %dma_wait3A_152 = tpu.memref_slice %arg5[%dma_wait3A_147, %dma_wait3A_151] : memref<7x128xi32, #tpu.memory_space<vmem>> -> memref<1x128xi32, #tpu.memory_space<vmem>>
    %dma_wait3A_153 = tpu.memref_squeeze %dma_wait3A_152 : memref<1x128xi32, #tpu.memory_space<vmem>> -> memref<128xi32, #tpu.memory_space<vmem>>
    %dma_wait3A_154 = arith.constant 0 : i32
    %dma_wait3A_155 = arith.constant 0 : i32
    %dma_wait3A_156 = tpu.memref_slice %arg3[%dma_wait3A_154, %dma_wait3A_155] : memref<100000x128xf32, #tpu.memory_space<hbm>> -> memref<100000x128xf32, #tpu.memory_space<hbm>>
    tpu.wait_indirect_dma semaphore(%arg7 : memref<!tpu.dma_semaphore, #tpu.memory_space<semaphore_mem>>) src(%dma_wait3A_156 : memref<100000x128xf32, #tpu.memory_space<hbm>>) dst(%dma_wait3A_150 : memref<128x128xf32, #tpu.memory_space<vmem>>)
    %dma_wait3A_157 = arith.constant 3 : i32
    %dma_wait3A_158 = arith.constant 384 : i32
    %dma_wait3A_159 = arith.constant 0 : i32
    %dma_wait3A_160 = tpu.memref_slice %arg6[%dma_wait3A_158, %dma_wait3A_159] : memref<896x128xf32, #tpu.memory_space<vmem>> -> memref<128x128xf32, #tpu.memory_space<vmem>>
    %dma_wait3A_161 = arith.constant 0 : i32
    %dma_wait3A_162 = tpu.memref_slice %arg5[%dma_wait3A_157, %dma_wait3A_161] : memref<7x128xi32, #tpu.memory_space<vmem>> -> memref<1x128xi32, #tpu.memory_space<vmem>>
    %dma_wait3A_163 = tpu.memref_squeeze %dma_wait3A_162 : memref<1x128xi32, #tpu.memory_space<vmem>> -> memref<128xi32, #tpu.memory_space<vmem>>
    %dma_wait3A_164 = arith.constant 0 : i32
    %dma_wait3A_165 = arith.constant 0 : i32
    %dma_wait3A_166 = tpu.memref_slice %arg3[%dma_wait3A_164, %dma_wait3A_165] : memref<100000x128xf32, #tpu.memory_space<hbm>> -> memref<100000x128xf32, #tpu.memory_space<hbm>>
    tpu.wait_indirect_dma semaphore(%arg7 : memref<!tpu.dma_semaphore, #tpu.memory_space<semaphore_mem>>) src(%dma_wait3A_166 : memref<100000x128xf32, #tpu.memory_space<hbm>>) dst(%dma_wait3A_160 : memref<128x128xf32, #tpu.memory_space<vmem>>)
    %dma_start3A_167 = arith.constant 0 : i32
    %dma_start3A_168 = arith.constant 0 : i32
    %dma_start3A_169 = tpu.memref_slice %arg6[%dma_start3A_167, %dma_start3A_168] : memref<896x128xf32, #tpu.memory_space<vmem>> -> memref<512x128xf32, #tpu.memory_space<vmem>>
    %dma_start3A_170 = arith.constant 0 : i32
    %dma_start3A_171 = tpu.memref_slice %arg4[%mul3A_2, %dma_start3A_170] : memref<28672x128xf32, #tpu.memory_space<hbm>> -> memref<512x128xf32, #tpu.memory_space<hbm>>
    %dma_start3A_172 = arith.constant 0 : i32
    %dma_start3A_173 = tpu.memref_slice %arg4[%mul3A_2, %dma_start3A_172] : memref<28672x128xf32, #tpu.memory_space<hbm>> -> memref<512x128xf32, #tpu.memory_space<hbm>>
    %dma_start3A_174 = arith.constant 0 : i32
    %dma_start3A_175 = arith.constant 0 : i32
    %dma_start3A_176 = tpu.memref_slice %arg6[%dma_start3A_174, %dma_start3A_175] : memref<896x128xf32, #tpu.memory_space<vmem>> -> memref<512x128xf32, #tpu.memory_space<vmem>>
    tpu.enqueue_dma source(%dma_start3A_176 : memref<512x128xf32, #tpu.memory_space<vmem>>) target(%dma_start3A_173 : memref<512x128xf32, #tpu.memory_space<hbm>>) target_semaphore(%arg8 : memref<!tpu.dma_semaphore, #tpu.memory_space<semaphore_mem>>)
    %dma_wait3A_177 = arith.constant 4 : i32
    %dma_wait3A_178 = arith.constant 512 : i32
    %dma_wait3A_179 = arith.constant 0 : i32
    %dma_wait3A_180 = tpu.memref_slice %arg6[%dma_wait3A_178, %dma_wait3A_179] : memref<896x128xf32, #tpu.memory_space<vmem>> -> memref<128x128xf32, #tpu.memory_space<vmem>>
    %dma_wait3A_181 = arith.constant 0 : i32
    %dma_wait3A_182 = tpu.memref_slice %arg5[%dma_wait3A_177, %dma_wait3A_181] : memref<7x128xi32, #tpu.memory_space<vmem>> -> memref<1x128xi32, #tpu.memory_space<vmem>>
    %dma_wait3A_183 = tpu.memref_squeeze %dma_wait3A_182 : memref<1x128xi32, #tpu.memory_space<vmem>> -> memref<128xi32, #tpu.memory_space<vmem>>
    %dma_wait3A_184 = arith.constant 0 : i32
    %dma_wait3A_185 = arith.constant 0 : i32
    %dma_wait3A_186 = tpu.memref_slice %arg3[%dma_wait3A_184, %dma_wait3A_185] : memref<100000x128xf32, #tpu.memory_space<hbm>> -> memref<100000x128xf32, #tpu.memory_space<hbm>>
    tpu.wait_indirect_dma semaphore(%arg7 : memref<!tpu.dma_semaphore, #tpu.memory_space<semaphore_mem>>) src(%dma_wait3A_186 : memref<100000x128xf32, #tpu.memory_space<hbm>>) dst(%dma_wait3A_180 : memref<128x128xf32, #tpu.memory_space<vmem>>)
    %dma_wait3A_187 = arith.constant 5 : i32
    %dma_wait3A_188 = arith.constant 640 : i32
    %dma_wait3A_189 = arith.constant 0 : i32
    %dma_wait3A_190 = tpu.memref_slice %arg6[%dma_wait3A_188, %dma_wait3A_189] : memref<896x128xf32, #tpu.memory_space<vmem>> -> memref<128x128xf32, #tpu.memory_space<vmem>>
    %dma_wait3A_191 = arith.constant 0 : i32
    %dma_wait3A_192 = tpu.memref_slice %arg5[%dma_wait3A_187, %dma_wait3A_191] : memref<7x128xi32, #tpu.memory_space<vmem>> -> memref<1x128xi32, #tpu.memory_space<vmem>>
    %dma_wait3A_193 = tpu.memref_squeeze %dma_wait3A_192 : memref<1x128xi32, #tpu.memory_space<vmem>> -> memref<128xi32, #tpu.memory_space<vmem>>
    %dma_wait3A_194 = arith.constant 0 : i32
    %dma_wait3A_195 = arith.constant 0 : i32
    %dma_wait3A_196 = tpu.memref_slice %arg3[%dma_wait3A_194, %dma_wait3A_195] : memref<100000x128xf32, #tpu.memory_space<hbm>> -> memref<100000x128xf32, #tpu.memory_space<hbm>>
    tpu.wait_indirect_dma semaphore(%arg7 : memref<!tpu.dma_semaphore, #tpu.memory_space<semaphore_mem>>) src(%dma_wait3A_196 : memref<100000x128xf32, #tpu.memory_space<hbm>>) dst(%dma_wait3A_190 : memref<128x128xf32, #tpu.memory_space<vmem>>)
    %dma_wait3A_197 = arith.constant 6 : i32
    %dma_wait3A_198 = arith.constant 768 : i32
    %dma_wait3A_199 = arith.constant 0 : i32
    %dma_wait3A_200 = tpu.memref_slice %arg6[%dma_wait3A_198, %dma_wait3A_199] : memref<896x128xf32, #tpu.memory_space<vmem>> -> memref<128x128xf32, #tpu.memory_space<vmem>>
    %dma_wait3A_201 = arith.constant 0 : i32
    %dma_wait3A_202 = tpu.memref_slice %arg5[%dma_wait3A_197, %dma_wait3A_201] : memref<7x128xi32, #tpu.memory_space<vmem>> -> memref<1x128xi32, #tpu.memory_space<vmem>>
    %dma_wait3A_203 = tpu.memref_squeeze %dma_wait3A_202 : memref<1x128xi32, #tpu.memory_space<vmem>> -> memref<128xi32, #tpu.memory_space<vmem>>
    %dma_wait3A_204 = arith.constant 0 : i32
    %dma_wait3A_205 = arith.constant 0 : i32
    %dma_wait3A_206 = tpu.memref_slice %arg3[%dma_wait3A_204, %dma_wait3A_205] : memref<100000x128xf32, #tpu.memory_space<hbm>> -> memref<100000x128xf32, #tpu.memory_space<hbm>>
    tpu.wait_indirect_dma semaphore(%arg7 : memref<!tpu.dma_semaphore, #tpu.memory_space<semaphore_mem>>) src(%dma_wait3A_206 : memref<100000x128xf32, #tpu.memory_space<hbm>>) dst(%dma_wait3A_200 : memref<128x128xf32, #tpu.memory_space<vmem>>)
    %add3A_207 = arith.constant 512 : i32
    %add3A_208 = arith.addi %mul3A_2, %add3A_207 : i32
    %dma_start3A_209 = arith.constant 512 : i32
    %dma_start3A_210 = arith.constant 0 : i32
    %dma_start3A_211 = tpu.memref_slice %arg6[%dma_start3A_209, %dma_start3A_210] : memref<896x128xf32, #tpu.memory_space<vmem>> -> memref<384x128xf32, #tpu.memory_space<vmem>>
    %dma_start3A_212 = arith.constant 0 : i32
    %dma_start3A_213 = tpu.memref_slice %arg4[%add3A_208, %dma_start3A_212] : memref<28672x128xf32, #tpu.memory_space<hbm>> -> memref<384x128xf32, #tpu.memory_space<hbm>>
    %dma_start3A_214 = arith.constant 0 : i32
    %dma_start3A_215 = tpu.memref_slice %arg4[%add3A_208, %dma_start3A_214] : memref<28672x128xf32, #tpu.memory_space<hbm>> -> memref<384x128xf32, #tpu.memory_space<hbm>>
    %dma_start3A_216 = arith.constant 512 : i32
    %dma_start3A_217 = arith.constant 0 : i32
    %dma_start3A_218 = tpu.memref_slice %arg6[%dma_start3A_216, %dma_start3A_217] : memref<896x128xf32, #tpu.memory_space<vmem>> -> memref<384x128xf32, #tpu.memory_space<vmem>>
    tpu.enqueue_dma source(%dma_start3A_218 : memref<384x128xf32, #tpu.memory_space<vmem>>) target(%dma_start3A_215 : memref<384x128xf32, #tpu.memory_space<hbm>>) target_semaphore(%arg8 : memref<!tpu.dma_semaphore, #tpu.memory_space<semaphore_mem>>)
    %dma_wait3A_219 = arith.constant 0 : i32
    %dma_wait3A_220 = arith.constant 0 : i32
    %dma_wait3A_221 = tpu.memref_slice %arg6[%dma_wait3A_219, %dma_wait3A_220] : memref<896x128xf32, #tpu.memory_space<vmem>> -> memref<512x128xf32, #tpu.memory_space<vmem>>
    %dma_wait3A_222 = arith.constant 0 : i32
    %dma_wait3A_223 = tpu.memref_slice %arg4[%mul3A_2, %dma_wait3A_222] : memref<28672x128xf32, #tpu.memory_space<hbm>> -> memref<512x128xf32, #tpu.memory_space<hbm>>
    %dma_wait3A_224 = arith.constant 0 : i32
    %dma_wait3A_225 = tpu.memref_slice %arg4[%mul3A_2, %dma_wait3A_224] : memref<28672x128xf32, #tpu.memory_space<hbm>> -> memref<512x128xf32, #tpu.memory_space<hbm>>
    %dma_wait3A_226 = arith.constant 0 : i32
    %dma_wait3A_227 = arith.constant 0 : i32
    %dma_wait3A_228 = tpu.memref_slice %arg6[%dma_wait3A_226, %dma_wait3A_227] : memref<896x128xf32, #tpu.memory_space<vmem>> -> memref<512x128xf32, #tpu.memory_space<vmem>>
    tpu.wait_dma2 semaphore(%arg8 : memref<!tpu.dma_semaphore, #tpu.memory_space<semaphore_mem>>) src(%dma_wait3A_228 : memref<512x128xf32, #tpu.memory_space<vmem>>) dst(%dma_wait3A_225 : memref<512x128xf32, #tpu.memory_space<hbm>>)
    %dma_wait3A_229 = arith.constant 512 : i32
    %dma_wait3A_230 = arith.constant 0 : i32
    %dma_wait3A_231 = tpu.memref_slice %arg6[%dma_wait3A_229, %dma_wait3A_230] : memref<896x128xf32, #tpu.memory_space<vmem>> -> memref<384x128xf32, #tpu.memory_space<vmem>>
    %dma_wait3A_232 = arith.constant 0 : i32
    %dma_wait3A_233 = tpu.memref_slice %arg4[%add3A_208, %dma_wait3A_232] : memref<28672x128xf32, #tpu.memory_space<hbm>> -> memref<384x128xf32, #tpu.memory_space<hbm>>
    %dma_wait3A_234 = arith.constant 0 : i32
    %dma_wait3A_235 = tpu.memref_slice %arg4[%add3A_208, %dma_wait3A_234] : memref<28672x128xf32, #tpu.memory_space<hbm>> -> memref<384x128xf32, #tpu.memory_space<hbm>>
    %dma_wait3A_236 = arith.constant 512 : i32
    %dma_wait3A_237 = arith.constant 0 : i32
    %dma_wait3A_238 = tpu.memref_slice %arg6[%dma_wait3A_236, %dma_wait3A_237] : memref<896x128xf32, #tpu.memory_space<vmem>> -> memref<384x128xf32, #tpu.memory_space<vmem>>
    tpu.wait_dma2 semaphore(%arg8 : memref<!tpu.dma_semaphore, #tpu.memory_space<semaphore_mem>>) src(%dma_wait3A_238 : memref<384x128xf32, #tpu.memory_space<vmem>>) dst(%dma_wait3A_235 : memref<384x128xf32, #tpu.memory_space<hbm>>)
    return
  }
}

module attributes {stable_mosaic.version = 14 : i64} {
  func.func @_mlp_body(%arg0: i32, %arg1: memref<7x1024x128xf32, #tpu.memory_space<vmem>>, %arg2: memref<7x128x1024xf32, #tpu.memory_space<vmem>>, %arg3: memref<1x1024xf32, #tpu.memory_space<vmem>>, %arg4: memref<1024x45xf32, #tpu.memory_space<vmem>>, %arg5: memref<1x45xf32, #tpu.memory_space<vmem>>, %arg6: memref<1024x45xf32, #tpu.memory_space<vmem>>, %arg7: memref<7x128x1024xbf16, #tpu.memory_space<vmem>>) attributes {dimension_semantics = [#tpu.dimension_semantics<arbitrary>], iteration_bounds = array<i64: 4>, scalar_prefetch = 0 : i64, scratch_operands = 1 : i64, tpu.core_type = #tpu.core_type<tc>, window_params = [{transform_indices = @transform_0, window_bounds = array<i64: 7, 1024, 128>}, {pipeline_mode = #tpu.pipeline_mode<synchronous>, transform_indices = @transform_1, window_bounds = array<i64: 7, 128, 1024>}, {pipeline_mode = #tpu.pipeline_mode<synchronous>, transform_indices = @transform_2, window_bounds = array<i64: 1, 1024>}, {pipeline_mode = #tpu.pipeline_mode<synchronous>, transform_indices = @transform_3, window_bounds = array<i64: 1024, 45>}, {pipeline_mode = #tpu.pipeline_mode<synchronous>, transform_indices = @transform_4, window_bounds = array<i64: 1, 45>}, {transform_indices = @transform_5, window_bounds = array<i64: 1024, 45>}]} {
    %eq3A = arith.constant 0 : i32
    %eq3A_0 = arith.cmpi eq, %arg0, %eq3A : i32
    %convert_element_type3A = arith.extui %eq3A_0 : i1 to i32
    %cond3A = arith.constant 0 : i32
    %cond3A_1 = arith.cmpi ne, %convert_element_type3A, %cond3A : i32
    scf.if %cond3A_1 {
      %get3A_124 = arith.constant 0 : index
      %get3A_125 = arith.constant 0 : index
      %get3A_126 = arith.constant 0 : index
      %get3A_127 = vector.load %arg2[%get3A_124, %get3A_125, %get3A_126] : memref<7x128x1024xf32, #tpu.memory_space<vmem>>, vector<7x128x1024xf32>
      %convert_element_type3A_128 = arith.truncf %get3A_127 : vector<7x128x1024xf32> to vector<7x128x1024xbf16>
      %swap3A_129 = arith.constant 0 : index
      %swap3A_130 = arith.constant 0 : index
      %swap3A_131 = arith.constant 0 : index
      %swap3A_132 = vector.load %arg7[%swap3A_129, %swap3A_130, %swap3A_131] : memref<7x128x1024xbf16, #tpu.memory_space<vmem>>, vector<7x128x1024xbf16>
      tpu.vector_store %arg7[%swap3A_129, %swap3A_130, %swap3A_131], %convert_element_type3A_128 {strides = array<i32>} : memref<7x128x1024xbf16, #tpu.memory_space<vmem>>, vector<7x128x1024xbf16>,
    } else {
    }
    %get3A = arith.constant 0 : index
    %get3A_2 = arith.constant 0 : index
    %get3A_3 = arith.constant 0 : index
    %get3A_4 = vector.load %arg1[%get3A, %get3A_2, %get3A_3] : memref<7x1024x128xf32, #tpu.memory_space<vmem>>, vector<1x1024x128xf32>
    %get3A_5 = vector.shape_cast %get3A_4 : vector<1x1024x128xf32> to vector<1024x128xf32>
    %convert_element_type3A_6 = arith.truncf %get3A_5 : vector<1024x128xf32> to vector<1024x128xbf16>
    %get3A_7 = arith.constant 0 : index
    %get3A_8 = arith.constant 0 : index
    %get3A_9 = arith.constant 0 : index
    %get3A_10 = vector.load %arg7[%get3A_7, %get3A_8, %get3A_9] : memref<7x128x1024xbf16, #tpu.memory_space<vmem>>, vector<1x128x1024xbf16>
    %get3A_11 = vector.shape_cast %get3A_10 : vector<1x128x1024xbf16> to vector<128x1024xbf16>
    %dot_general3A = arith.constant dense<0.000000e+00> : vector<1024x1024xf32>
    %dot_general3A_12 = tpu.matmul %convert_element_type3A_6, %get3A_11, %dot_general3A {dimension_numbers = #tpu.dot_dimension_numbers<[1], [0], [0], [1], [0, 0, 1, 1], [], []>, transpose_lhs_hint = false} : vector<1024x128xbf16>, vector<128x1024xbf16>, vector<1024x1024xf32> -> vector<1024x1024xf32>
    %get3A_13 = arith.constant 1 : index
    %get3A_14 = arith.constant 0 : index
    %get3A_15 = arith.constant 0 : index
    %get3A_16 = vector.load %arg1[%get3A_13, %get3A_14, %get3A_15] : memref<7x1024x128xf32, #tpu.memory_space<vmem>>, vector<1x1024x128xf32>
    %get3A_17 = vector.shape_cast %get3A_16 : vector<1x1024x128xf32> to vector<1024x128xf32>
    %convert_element_type3A_18 = arith.truncf %get3A_17 : vector<1024x128xf32> to vector<1024x128xbf16>
    %get3A_19 = arith.constant 1 : index
    %get3A_20 = arith.constant 0 : index
    %get3A_21 = arith.constant 0 : index
    %get3A_22 = vector.load %arg7[%get3A_19, %get3A_20, %get3A_21] : memref<7x128x1024xbf16, #tpu.memory_space<vmem>>, vector<1x128x1024xbf16>
    %get3A_23 = vector.shape_cast %get3A_22 : vector<1x128x1024xbf16> to vector<128x1024xbf16>
    %dot_general3A_24 = arith.constant dense<0.000000e+00> : vector<1024x1024xf32>
    %dot_general3A_25 = tpu.matmul %convert_element_type3A_18, %get3A_23, %dot_general3A_24 {dimension_numbers = #tpu.dot_dimension_numbers<[1], [0], [0], [1], [0, 0, 1, 1], [], []>, transpose_lhs_hint = false} : vector<1024x128xbf16>, vector<128x1024xbf16>, vector<1024x1024xf32> -> vector<1024x1024xf32>
    %add3A = arith.addf %dot_general3A_12, %dot_general3A_25 : vector<1024x1024xf32>
    %get3A_26 = arith.constant 2 : index
    %get3A_27 = arith.constant 0 : index
    %get3A_28 = arith.constant 0 : index
    %get3A_29 = vector.load %arg1[%get3A_26, %get3A_27, %get3A_28] : memref<7x1024x128xf32, #tpu.memory_space<vmem>>, vector<1x1024x128xf32>
    %get3A_30 = vector.shape_cast %get3A_29 : vector<1x1024x128xf32> to vector<1024x128xf32>
    %convert_element_type3A_31 = arith.truncf %get3A_30 : vector<1024x128xf32> to vector<1024x128xbf16>
    %get3A_32 = arith.constant 2 : index
    %get3A_33 = arith.constant 0 : index
    %get3A_34 = arith.constant 0 : index
    %get3A_35 = vector.load %arg7[%get3A_32, %get3A_33, %get3A_34] : memref<7x128x1024xbf16, #tpu.memory_space<vmem>>, vector<1x128x1024xbf16>
    %get3A_36 = vector.shape_cast %get3A_35 : vector<1x128x1024xbf16> to vector<128x1024xbf16>
    %dot_general3A_37 = arith.constant dense<0.000000e+00> : vector<1024x1024xf32>
    %dot_general3A_38 = tpu.matmul %convert_element_type3A_31, %get3A_36, %dot_general3A_37 {dimension_numbers = #tpu.dot_dimension_numbers<[1], [0], [0], [1], [0, 0, 1, 1], [], []>, transpose_lhs_hint = false} : vector<1024x128xbf16>, vector<128x1024xbf16>, vector<1024x1024xf32> -> vector<1024x1024xf32>
    %add3A_39 = arith.addf %add3A, %dot_general3A_38 : vector<1024x1024xf32>
    %get3A_40 = arith.constant 3 : index
    %get3A_41 = arith.constant 0 : index
    %get3A_42 = arith.constant 0 : index
    %get3A_43 = vector.load %arg1[%get3A_40, %get3A_41, %get3A_42] : memref<7x1024x128xf32, #tpu.memory_space<vmem>>, vector<1x1024x128xf32>
    %get3A_44 = vector.shape_cast %get3A_43 : vector<1x1024x128xf32> to vector<1024x128xf32>
    %convert_element_type3A_45 = arith.truncf %get3A_44 : vector<1024x128xf32> to vector<1024x128xbf16>
    %get3A_46 = arith.constant 3 : index
    %get3A_47 = arith.constant 0 : index
    %get3A_48 = arith.constant 0 : index
    %get3A_49 = vector.load %arg7[%get3A_46, %get3A_47, %get3A_48] : memref<7x128x1024xbf16, #tpu.memory_space<vmem>>, vector<1x128x1024xbf16>
    %get3A_50 = vector.shape_cast %get3A_49 : vector<1x128x1024xbf16> to vector<128x1024xbf16>
    %dot_general3A_51 = arith.constant dense<0.000000e+00> : vector<1024x1024xf32>
    %dot_general3A_52 = tpu.matmul %convert_element_type3A_45, %get3A_50, %dot_general3A_51 {dimension_numbers = #tpu.dot_dimension_numbers<[1], [0], [0], [1], [0, 0, 1, 1], [], []>, transpose_lhs_hint = false} : vector<1024x128xbf16>, vector<128x1024xbf16>, vector<1024x1024xf32> -> vector<1024x1024xf32>
    %add3A_53 = arith.addf %add3A_39, %dot_general3A_52 : vector<1024x1024xf32>
    %get3A_54 = arith.constant 4 : index
    %get3A_55 = arith.constant 0 : index
    %get3A_56 = arith.constant 0 : index
    %get3A_57 = vector.load %arg1[%get3A_54, %get3A_55, %get3A_56] : memref<7x1024x128xf32, #tpu.memory_space<vmem>>, vector<1x1024x128xf32>
    %get3A_58 = vector.shape_cast %get3A_57 : vector<1x1024x128xf32> to vector<1024x128xf32>
    %convert_element_type3A_59 = arith.truncf %get3A_58 : vector<1024x128xf32> to vector<1024x128xbf16>
    %get3A_60 = arith.constant 4 : index
    %get3A_61 = arith.constant 0 : index
    %get3A_62 = arith.constant 0 : index
    %get3A_63 = vector.load %arg7[%get3A_60, %get3A_61, %get3A_62] : memref<7x128x1024xbf16, #tpu.memory_space<vmem>>, vector<1x128x1024xbf16>
    %get3A_64 = vector.shape_cast %get3A_63 : vector<1x128x1024xbf16> to vector<128x1024xbf16>
    %dot_general3A_65 = arith.constant dense<0.000000e+00> : vector<1024x1024xf32>
    %dot_general3A_66 = tpu.matmul %convert_element_type3A_59, %get3A_64, %dot_general3A_65 {dimension_numbers = #tpu.dot_dimension_numbers<[1], [0], [0], [1], [0, 0, 1, 1], [], []>, transpose_lhs_hint = false} : vector<1024x128xbf16>, vector<128x1024xbf16>, vector<1024x1024xf32> -> vector<1024x1024xf32>
    %add3A_67 = arith.addf %add3A_53, %dot_general3A_66 : vector<1024x1024xf32>
    %get3A_68 = arith.constant 5 : index
    %get3A_69 = arith.constant 0 : index
    %get3A_70 = arith.constant 0 : index
    %get3A_71 = vector.load %arg1[%get3A_68, %get3A_69, %get3A_70] : memref<7x1024x128xf32, #tpu.memory_space<vmem>>, vector<1x1024x128xf32>
    %get3A_72 = vector.shape_cast %get3A_71 : vector<1x1024x128xf32> to vector<1024x128xf32>
    %convert_element_type3A_73 = arith.truncf %get3A_72 : vector<1024x128xf32> to vector<1024x128xbf16>
    %get3A_74 = arith.constant 5 : index
    %get3A_75 = arith.constant 0 : index
    %get3A_76 = arith.constant 0 : index
    %get3A_77 = vector.load %arg7[%get3A_74, %get3A_75, %get3A_76] : memref<7x128x1024xbf16, #tpu.memory_space<vmem>>, vector<1x128x1024xbf16>
    %get3A_78 = vector.shape_cast %get3A_77 : vector<1x128x1024xbf16> to vector<128x1024xbf16>
    %dot_general3A_79 = arith.constant dense<0.000000e+00> : vector<1024x1024xf32>
    %dot_general3A_80 = tpu.matmul %convert_element_type3A_73, %get3A_78, %dot_general3A_79 {dimension_numbers = #tpu.dot_dimension_numbers<[1], [0], [0], [1], [0, 0, 1, 1], [], []>, transpose_lhs_hint = false} : vector<1024x128xbf16>, vector<128x1024xbf16>, vector<1024x1024xf32> -> vector<1024x1024xf32>
    %add3A_81 = arith.addf %add3A_67, %dot_general3A_80 : vector<1024x1024xf32>
    %get3A_82 = arith.constant 6 : index
    %get3A_83 = arith.constant 0 : index
    %get3A_84 = arith.constant 0 : index
    %get3A_85 = vector.load %arg1[%get3A_82, %get3A_83, %get3A_84] : memref<7x1024x128xf32, #tpu.memory_space<vmem>>, vector<1x1024x128xf32>
    %get3A_86 = vector.shape_cast %get3A_85 : vector<1x1024x128xf32> to vector<1024x128xf32>
    %convert_element_type3A_87 = arith.truncf %get3A_86 : vector<1024x128xf32> to vector<1024x128xbf16>
    %get3A_88 = arith.constant 6 : index
    %get3A_89 = arith.constant 0 : index
    %get3A_90 = arith.constant 0 : index
    %get3A_91 = vector.load %arg7[%get3A_88, %get3A_89, %get3A_90] : memref<7x128x1024xbf16, #tpu.memory_space<vmem>>, vector<1x128x1024xbf16>
    %get3A_92 = vector.shape_cast %get3A_91 : vector<1x128x1024xbf16> to vector<128x1024xbf16>
    %dot_general3A_93 = arith.constant dense<0.000000e+00> : vector<1024x1024xf32>
    %dot_general3A_94 = tpu.matmul %convert_element_type3A_87, %get3A_92, %dot_general3A_93 {dimension_numbers = #tpu.dot_dimension_numbers<[1], [0], [0], [1], [0, 0, 1, 1], [], []>, transpose_lhs_hint = false} : vector<1024x128xbf16>, vector<128x1024xbf16>, vector<1024x1024xf32> -> vector<1024x1024xf32>
    %add3A_95 = arith.addf %add3A_81, %dot_general3A_94 : vector<1024x1024xf32>
    %get3A_96 = arith.constant 0 : index
    %get3A_97 = arith.constant 0 : index
    %get3A_98 = vector.load %arg3[%get3A_96, %get3A_97] : memref<1x1024xf32, #tpu.memory_space<vmem>>, vector<1x1024xf32>
    %add3A_99 = vector.broadcast %get3A_98 : vector<1x1024xf32> to vector<1024x1024xf32>
    %add3A_100 = arith.addf %add3A_95, %add3A_99 : vector<1024x1024xf32>
    %max3A = arith.constant 0.000000e+00 : f32
    %max3A_101 = vector.broadcast %max3A : f32 to vector<1024x1024xf32>
    %max3A_102 = arith.maximumf %add3A_100, %max3A_101 : vector<1024x1024xf32>
    %convert_element_type3A_103 = arith.truncf %max3A_102 : vector<1024x1024xf32> to vector<1024x1024xbf16>
    %get3A_104 = arith.constant 0 : index
    %get3A_105 = arith.constant 0 : index
    %get3A_106 = vector.load %arg4[%get3A_104, %get3A_105] : memref<1024x45xf32, #tpu.memory_space<vmem>>, vector<1024x45xf32>
    %convert_element_type3A_107 = arith.truncf %get3A_106 : vector<1024x45xf32> to vector<1024x45xbf16>
    %dot_general3A_108 = arith.constant dense<0.000000e+00> : vector<1024x45xf32>
    %dot_general3A_109 = tpu.matmul %convert_element_type3A_103, %convert_element_type3A_107, %dot_general3A_108 {dimension_numbers = #tpu.dot_dimension_numbers<[1], [0], [0], [1], [0, 0, 1, 1], [], []>, transpose_lhs_hint = false} : vector<1024x1024xbf16>, vector<1024x45xbf16>, vector<1024x45xf32> -> vector<1024x45xf32>
    %get3A_110 = arith.constant 0 : index
    %get3A_111 = arith.constant 0 : index
    %get3A_112 = vector.load %arg5[%get3A_110, %get3A_111] : memref<1x45xf32, #tpu.memory_space<vmem>>, vector<1x45xf32>
    %add3A_113 = vector.broadcast %get3A_112 : vector<1x45xf32> to vector<1024x45xf32>
    %add3A_114 = arith.addf %dot_general3A_109, %add3A_113 : vector<1024x45xf32>
    %reduce_max3A = arith.constant dense<0xFF800000> : vector<1024xf32>
    %reduce_max3A_115 = vector.multi_reduction <maximumf>, %add3A_114, %reduce_max3A [1] : vector<1024x45xf32> to vector<1024xf32>
    %broadcast_in_dim3A = vector.shape_cast %reduce_max3A_115 : vector<1024xf32> to vector<1024x1xf32>
    %sub3A = vector.broadcast %broadcast_in_dim3A : vector<1024x1xf32> to vector<1024x45xf32>
    %sub3A_116 = arith.subf %add3A_114, %sub3A : vector<1024x45xf32>
    %exp3A = math.exp %sub3A_116 : vector<1024x45xf32>
    %reduce_sum3A = arith.constant dense<0.000000e+00> : vector<1024xf32>
    %reduce_sum3A_117 = vector.multi_reduction <add>, %exp3A, %reduce_sum3A [1] : vector<1024x45xf32> to vector<1024xf32>
    %broadcast_in_dim3A_118 = vector.shape_cast %reduce_sum3A_117 : vector<1024xf32> to vector<1024x1xf32>
    %log3A = math.log %broadcast_in_dim3A_118 : vector<1024x1xf32>
    %add3A_119 = arith.addf %log3A, %broadcast_in_dim3A : vector<1024x1xf32>
    %sub3A_120 = vector.broadcast %add3A_119 : vector<1024x1xf32> to vector<1024x45xf32>
    %sub3A_121 = arith.subf %add3A_114, %sub3A_120 : vector<1024x45xf32>
    %swap3A = arith.constant 0 : index
    %swap3A_122 = arith.constant 0 : index
    %swap3A_123 = vector.load %arg6[%swap3A, %swap3A_122] : memref<1024x45xf32, #tpu.memory_space<vmem>>, vector<1024x45xf32>
    tpu.vector_store %arg6[%swap3A, %swap3A_122], %sub3A_121 {strides = array<i32>} : memref<1024x45xf32, #tpu.memory_space<vmem>>, vector<1024x45xf32>,
    return
  }
  func.func @transform_0(%arg0: i32) -> (i32, i32, i32) {
    %c0_i32 = arith.constant 0 : i32
    %c0_i32_0 = arith.constant 0 : i32
    %c0_i32_1 = arith.constant 0 : i32
    return %c0_i32, %arg0, %c0_i32_0 : i32, i32, i32
  }
  func.func @transform_1(%arg0: i32) -> (i32, i32, i32) {
    %c0_i32 = arith.constant 0 : i32
    %c0_i32_0 = arith.constant 0 : i32
    %c0_i32_1 = arith.constant 0 : i32
    %c0_i32_2 = arith.constant 0 : i32
    return %c0_i32, %c0_i32_0, %c0_i32_1 : i32, i32, i32
  }
  func.func @transform_2(%arg0: i32) -> (i32, i32) {
    %c0_i32 = arith.constant 0 : i32
    %c0_i32_0 = arith.constant 0 : i32
    %c0_i32_1 = arith.constant 0 : i32
    return %c0_i32, %c0_i32_0 : i32, i32
  }
  func.func @transform_3(%arg0: i32) -> (i32, i32) {
    %c0_i32 = arith.constant 0 : i32
    %c0_i32_0 = arith.constant 0 : i32
    %c0_i32_1 = arith.constant 0 : i32
    return %c0_i32, %c0_i32_0 : i32, i32
  }
  func.func @transform_4(%arg0: i32) -> (i32, i32) {
    %c0_i32 = arith.constant 0 : i32
    %c0_i32_0 = arith.constant 0 : i32
    %c0_i32_1 = arith.constant 0 : i32
    return %c0_i32, %c0_i32_0 : i32, i32
  }
  func.func @transform_5(%arg0: i32) -> (i32, i32) {
    %c0_i32 = arith.constant 0 : i32
    %c0_i32_0 = arith.constant 0 : i32
    return %arg0, %c0_i32 : i32, i32
  }
}

</mosaic_0001>

<sc_bundles>
// kernel: kernel.4.cloned.1.call-start
scs
__scs_entry_jumppad:
0x0: {  	(pc) =	sbr.rel $0x88, $3  }
0x1: {  	(tag) =	ssettag $0x0;
	lr =	simm.s32 $0x1  }
0x2: {  	[smem:$0x3F9B] =	sst lr;
	_ =	strace $0xD0000000  }
0x3: {  	_ = 	snop  }
0x4: {  	_ = 	snop  }
0x5: {  	_ = 	snop  }
0x6: {  	_ = 	snop  }
0x7: {  	_ = 	snop  }
__scs_overlays_trampoline_lowered:
0x8: {  	[smem:$0x3FAA] =	sst s0  }
0x9: {  	[smem:$0x3FAB] =	sst s1  }
0xa: {  	[smem:$0x3FAC] =	sst s2  }
0xb: {  	[smem:$0x3FAD] =	sst s3  }
0xc: {  	[smem:$0x3FAE] =	sst s4  }
0xd: {  	[smem:$0x3FAF] =	sst s5  }
0xe: {  	[smem:$0x3FB0] =	sst s6  }
0xf: {  	[smem:$0x3FB1] =	sst s7  }
0x10: {  	[smem:$0x3FB2] =	sst s8  }
0x11: {  	[smem:$0x3FB3] =	sst s9;
	s0 =	simm.s32 @!p0 $0x0  }
0x12: {  	s1 =	sld [smem:$0x3F99];
	s0 =	simm.s32 @p0 $0x1  }
0x13: {  	[smem:$0x3FB4] =	sst s0;
	s0 =	simm.s32 @!p1 $0x0  }
0x14: {  	s2 =	sld [smem:$0x3F98];
	s0 =	simm.s32 @p1 $0x1  }
0x15: {  	[smem:$0x3FB5] =	sst s0;
	s0 =	simm.s32 @!p2 $0x0  }
0x16: {  	s3 =	sld [smem:$0x3FDB];
	s0 =	simm.s32 @p2 $0x1  }
0x17: {  	s4 =	simm.s32 $0x1BF5;
	[smem:$0x3FB7] =	sst s0  }
0x18: {  	s0 =	sld [smem:$0x3F9A];
	_ =	swait.ge [sflag:s4], $0x0  }
0x19: {  	s7 =	sld [smem:$0x3F9B]  }
0x1a: {  	s8 =	sadd.s32 $0xFFFFE003, lr  }
0x1b: {  	s9 =	sadd.s32 $0xFFFFFEF7, lr;
	s5 =	simm.s32 $0xFFFFFFFF;
	p2 =	slt.u32 s8, $0xFFFFF086  }
0x1c: {  	p1 =	slt.u32 s9, $0xF7A;
	s5 =	simm.s32 @!p2 $0x0  }
0x1d: {  	s5 =	simm.s32 @p1 $0x1;
	p0 =	seq.s32 s7, s2  }
0x1e: {  	s7 =	smul.u32 @!p0 $0xF7A, s2;
	p2 =	seq.s32 @!p0 s5, $0x0  }
0x1f: {  	s9 =	smul.u32 $0xF7A, s1;
	s8 =	simm.s32 @!p0 $0x1BF5;
	p2 =	por !p2, p0  }
0x20: {  	[sflag:s8] =	ssyncset.s32 @!p0 $0xFFFFF086;
	s6 =	sadd.s32 @!p0 s3, s7;
	s7 =	simm.s32 @!p0 $0x108  }
0x21: {  	s3 =	sadd.s32 s3, s9;
	s6 =	sadd.s32 @!p0 $0x88, s6;
	s7 =	simm.s32 @p2 $0x1082  }
0x22: {  	[simem:s7], [sflag:s8] =	dma.local @!p0 [hbm:s6], $0xF7A  }
0x23: {  	s9 =	sor.u32 $0xD0000000, s2;
	s6 =	simm.s32 $0x108;
	_ =	swait.ge @!p0 [sflag:s8], $0x0  }
0x24: {  	s3 =	sadd.s32 $0x88, s3;
	s6 =	simm.s32 @!p1 $0x1082;
	[sflag:s4] =	ssyncset.s32 $0xFFFFF086  }
0x25: {  	[simem:s6], [sflag:s4] =	dma.local [hbm:s3], $0xF7A  }
0x26: {  	[smem:$0x3F9B] =	sst s1;
	(tag) =	ssettag s2;
	_ =	strace s9  }
0x27: {  	s1 =	sld [smem:$0x3FAB]  }
0x28: {  	s2 =	sld [smem:$0x3FAC]  }
0x29: {  	s4 =	sld [smem:$0x3FAE]  }
0x2a: {  	p0 =	seq.s32 s5, $0x0;
	s5 =	sld [smem:$0x3FAF]  }
0x2b: {  	s6 =	sld [smem:$0x3FB0]  }
0x2c: {  	s7 =	sld [smem:$0x3FB1]  }
0x2d: {  	s3 =	simm.s32 $0x108;
	s8 =	sld [smem:$0x3FB2]  }
0x2e: {  	s3 =	simm.s32 @!p0 $0x1082;
	s9 =	sld [smem:$0x3FB3]  }
0x2f: {  	lr =	sadd.s32 s0, s3;
	s0 =	sld [smem:$0x3FAA]  }
0x30: {  	s3 =	sld [smem:$0x3FAD]  }
0x31: {  	[smem:$0x3FB6] =	sst s10  }
0x32: {  	s10 =	sld [smem:$0x3FB4];
	_ =	sdelay $0x3  }
0x33: {  	p0 =	seq.s32 s10, $0x1;
	s10 =	sld [smem:$0x3FB6];
	_ =	sdelay $0x3  }
0x34: {  	[smem:$0x3FB6] =	sst s10  }
0x35: {  	s10 =	sld [smem:$0x3FB5];
	_ =	sdelay $0x3  }
0x36: {  	p1 =	seq.s32 s10, $0x1;
	s10 =	sld [smem:$0x3FB6];
	_ =	sdelay $0x3  }
0x37: {  	[smem:$0x3FB6] =	sst s10  }
0x38: {  	s10 =	sld [smem:$0x3FB7]  }
0x39: {  	_ = 	snop;
	(pc) =	sbr.ind lr, $3  }
0x3a: {  	_ = 	snop  }
0x3b: {  	_ = 	snop  }
0x3c: {  	p2 =	seq.s32 s10, $0x1;
	s10 =	sld [smem:$0x3FB6]  }
0x3d: {  	_ =	shalt  }
0x3e: {  	_ =	shalt  }
0x3f: {  	_ =	shalt  }
0x40: {  	_ =	shalt  }
0x41: {  	_ =	shalt  }
0x42: {  	_ =	shalt  }
0x43: {  	_ =	shalt  }
0x44: {  	_ =	shalt  }
0x45: {  	_ =	shalt  }
0x46: {  	_ =	shalt  }
0x47: {  	_ =	shalt  }
0x48: {  	_ =	shalt  }
0x49: {  	_ =	shalt  }
0x4a: {  	_ =	shalt  }
0x4b: {  	_ =	shalt  }
0x4c: {  	_ =	shalt  }
0x4d: {  	_ =	shalt  }
0x4e: {  	_ =	shalt  }
0x4f: {  	_ =	shalt  }
0x50: {  	_ =	shalt  }
0x51: {  	_ =	shalt  }
0x52: {  	_ =	shalt  }
0x53: {  	_ =	shalt  }
0x54: {  	_ =	shalt  }
0x55: {  	_ =	shalt  }
0x56: {  	_ =	shalt  }
0x57: {  	_ =	shalt  }
0x58: {  	_ =	shalt  }
0x59: {  	_ =	shalt  }
0x5a: {  	_ =	shalt  }
0x5b: {  	_ =	shalt  }
0x5c: {  	_ =	shalt  }
0x5d: {  	_ =	shalt  }
0x5e: {  	_ =	shalt  }
0x5f: {  	_ =	shalt  }
0x60: {  	_ =	shalt  }
0x61: {  	_ =	shalt  }
0x62: {  	_ =	shalt  }
0x63: {  	_ =	shalt  }
0x64: {  	_ =	shalt  }
0x65: {  	_ =	shalt  }
0x66: {  	_ =	shalt  }
0x67: {  	_ =	shalt  }
0x68: {  	_ =	shalt  }
0x69: {  	_ =	shalt  }
0x6a: {  	_ =	shalt  }
0x6b: {  	_ =	shalt  }
0x6c: {  	_ =	shalt  }
0x6d: {  	_ =	shalt  }
0x6e: {  	_ =	shalt  }
0x6f: {  	_ =	shalt  }
0x70: {  	_ =	shalt  }
0x71: {  	_ =	shalt  }
0x72: {  	_ =	shalt  }
0x73: {  	_ =	shalt  }
0x74: {  	_ =	shalt  }
0x75: {  	_ =	shalt  }
0x76: {  	_ =	shalt  }
0x77: {  	_ =	shalt  }
0x78: {  	_ =	shalt  }
0x79: {  	_ =	shalt  }
0x7a: {  	_ =	shalt  }
0x7b: {  	_ =	shalt  }
0x7c: {  	_ =	shalt  }
0x7d: {  	_ =	shalt  }
0x7e: {  	_ =	shalt  }
0x7f: {  	_ =	shalt  }
0x80: {  	_ =	shalt  }
0x81: {  	_ =	shalt  }
0x82: {  	_ =	shalt  }
0x83: {  	_ =	shalt  }
0x84: {  	_ =	shalt  }
0x85: {  	_ =	shalt  }
0x86: {  	_ =	shalt  }
0x87: {  	_ =	shalt  }
.Lfunc_end0:
.L_simem_size_0:
called_computation_lowered:
.L_overlay_start_0:
0x88: {  	s2 =	sld [smem:$0x3FD9]  }
0x89: {  	s3 =	sld [smem:$0x3FFE];
	_ =	sdelay $0x1  }
0x8a: {  	s1 =	srdreg.scid  }
0x8b: {  	s0 =	sand.u32 $0x1, s1  }
0x8c: {  	s17 =	sshll.u32 s0, $0xA;
	s2 =	sadd.s32 s3, s2  }
0x8d: {  	s2 =	sadd.s32 s2, s17  }
0x8e: {  	[smem:$0x3FC2] =	sst s2  }
0x8f: {  	_ = 	snop  }
0x90: {  	s2 =	sld [smem:$0x3FC8]  }
0x91: {  	s18 =	sld [smem:$0x3FD0];
	(tm) =	ssettm $0x1  }
0x92: {  	s4 =	sld [smem:$0x3FFB];
	_ =	sdelay $0x3  }
0x93: {  	_ =	strace s4  }
0x94: {  	s4 =	sld [smem:$0x3FFC];
	_ =	sdelay $0x3  }
0x95: {  	_ =	strace s4  }
0x96: {  	s4 =	sld [smem:$0x3FFD];
	_ =	sdelay $0x3  }
0x97: {  	_ =	strace s4  }
0x98: {  	_ =	strace $0x8FFFFFFF  }
0x99: {  	s19 =	sld [smem:$0x3FDB];
	_ =	sdelay $0x1  }
0x9a: {  	s5 =	simm.s32 $_scs_section_size  }
0x9b: {  	s6 =	simm.s32 $_size__tile_overlayer_lowered;
	s7 =	simm.s32 $_tile_overlayer_lowered  }
0x9c: {  	s22 =	simm.s32 $0x1BFF;
	s21 =	sshll.u32 s7, $0x1;
	s4 =	sadd.s32 s5, s19  }
0x9d: {  	s8 =	simm.s32 $0x0;
	s20 =	sshll.u32 s6, $0x1;
	s6 =	sadd.s32 s21, s4  }
0x9e: {  	[timem:s8], [sflag:s22] =	dma.local [hbm:s6], s20  }
0x9f: {  	_ =	swait.ge [sflag:s22], s20  }
0xa0: {  	s5 =	ssub.s32 $0x0, s20;
	[sflag:s22] =	ssyncset.done $0x0  }
0xa1: {  	[sflag:s22] =	ssyncadd.s32 s5;
	_ =	sdelay $0x1  }
0xa2: {  	s23 =	simm.s32 $0x1B8B  }
0xa3: {  	_ =	swait.ge [sflag:s23], $0x1  }
0xa4: {  	[sflag:s23] =	ssyncset.done $0x0  }
0xa5: {  	s25 =	simm.s32 $0x1B8E;
	s24 =	sld [smem:$0x3FFE];
	[sflag:s23] =	ssyncadd.s32 $0xFFFFFFFF  }
0xa6: {  	s26 =	simm.s32 $execute0_lowered;
	[smem:$0x3FD2] =	sst s25  }
0xa7: {  	s6 =	sshll.u32 s26, $0x1;
	_ =	strace $0x80000046;
	[dreg:$0x1] =	wrdreg $0xFFFFFFFF  }
0xa8: {  	s28 =	simm.s32 $_size_execute0_lowered;
	s4 =	sadd.s32 s4, s6;
	[dreg:$0x0] =	wrdreg $0x0  }
0xa9: {  	s6 =	sshll.u32 s28, $0x1;
	[dreg:$0x2] =	wrdreg s4  }
0xaa: {  	[dreg:$0x3] =	wrdreg s6  }
0xab: {  	[dreg:$0x4] =	wrdreg $0xC0  }
0xac: {  	_ =	task [dreg:s8], $0x5FFFF  }
0xad: {  	[dreg:$0x1] =	wrdreg $0xFFFFFFFF  }
0xae: {  	[dreg:$0x0] =	wrdreg $0x60  }
0xaf: {  	[dreg:$0x2] =	wrdreg s18  }
0xb0: {  	[dreg:$0x3] =	wrdreg s2  }
0xb1: {  	[dreg:$0x4] =	wrdreg s24  }
0xb2: {  	[dreg:$0x5] =	wrdreg $0x9  }
0xb3: {  	_ =	task.clear_ibuf [dreg:s8], $0x6FFFF;
	_ =	strace $0x90000046  }
0xb4: {  	s29 =	simm.s32 $0x9;
	_ =	strace $0x80000048  }
0xb5: {  	_ =	swait.ge [sflag:s29], $0x1  }
0xb6: {  	[sflag:s29] =	ssyncadd.s32 $0xFFFFFFFF  }
0xb7: {  	_ =	strace $0x90000048  }
0xb8: {  	_ =	sfence  }
0xb9: {  	s30 =	sld [smem:$0x0];
	_ =	sdelay $0x2  }
0xba: {  	s31 =	sshll.u32 s1, $0xD;
	s1 =	sshrl.u32 s1, $0x2  }
0xbb: {  	s3 =	sand.u32 $0x4000, s31;
	s1 =	sadd.s32 s1, s30  }
0xbc: {  	s0 =	sor.u32 s3, s0;
	s1 =	sshll.u32 s1, $0x11  }
0xbd: {  	s0 =	sor.u32 s1, s0  }
0xbe: {  	s0 =	sadd.s32 $0x8F2B, s0  }
0xbf: {  	[sflag:s0] =	ssyncadd.remote.s32 $0x1  }
0xc0: {  	_ =	sfence.sel $0xFFFF  }
0xc1: {  	[dreg:$0x0] =	wrdreg $0xFFFFFFFF;
	(pc) =	sbr.abs _section_cstart, $3  }
0xc2: {  	[dreg:$0x1] =	wrdreg $0xFFFFFFFF  }
0xc3: {  	_ =	task.clear_ibuf [dreg:s8], $0x2FFFF;
	_ =	strace $0x9FFFFFFF  }
0xc4: {  	(tm) =	ssettm $0x7FFFFFFF  }
0xc5: {  	_ =	shalt  }
tec
execute0_lowered:
.L_overlay_start_1:
0x0: {  	(tag) =	ssettag $0x1  }
0x1: {  	s4 =	rddreg [dreg:$0x0]  }
0x2: {  	s1 =	srdreg.scid;
	s0 =	stileid.u32  }
0x3: {  	s2 =	rddreg [dreg:$0x1];
	s22 =	sand.u32 $0x1, s1;
	s5 =	sshll.u32 s0, $0x1  }
0x4: {  	s21 =	rddreg [dreg:$0x2];
	s3 =	simm.s32 $0x0;
	s23 =	sor.u32 s22, s5  }
0x5: {  	[smem:$0x7FF] =	sst s3;
	s5 =	sshll.u32 s23, $0x7  }
0x6: {  	s1 =	rddreg [dreg:$0x3];
	_ =	strace $0x80000047;
	s4 =	sadd.s32 s4, s5  }
0x7: {  	[tilespmem:s3], [sflag:$0x2] =	stream.linear.gather [hbm4b:s4+s3], $0x80, $0x38;
	[tilespmem:$0x1C400] =	vst v63  }
0x8: {  	s7 =	simm.s32 $0x80;
	s6 =	simm.s32 $0x2;
	s5 =	sadd.s32 $0x10, s4  }
0x9: {  	[tilespmem:s7], [sflag:$0x2] =	stream.linear.gather [hbm4b:s5+s3], $0x300, $0x38;
	[tilespmem:$0x1C400] =	vst v63  }
0xa: {  	_ =	swait.ge [sflag:s6], $0x80  }
0xb: {  	[sflag:s6] =	ssyncset.done $0x0  }
0xc: {  	s8 =	simm.s32 $0x400;
	[sflag:s6] =	ssyncadd.s32 $0xFFFFFF80  }
0xd: {  	[tilespmem:s8], [sflag:$0x1] =	stream.indirect.gather [hbm4b:s2+s7], $0x80, s3, s7, $0xb8;
	[tilespmem:$0x1C400] =	vst v63  }
0xe: {  	_ =	swait.ge [sflag:s6], $0x300  }
0xf: {  	[sflag:s6] =	ssyncset.done $0x0  }
0x10: {  	s9 =	simm.s32 $0x4400;
	[sflag:s6] =	ssyncadd.s32 $0xFFFFFD00  }
0x11: {  	[tilespmem:s9], [sflag:$0x1] =	stream.indirect.gather [hbm4b:s2+s7], $0x80, s7, s7, $0xb8;
	[tilespmem:$0x1C400] =	vst v63  }
0x12: {  	s10 =	simm.s32 $0x100;
	s11 =	simm.s32 $0x8400  }
0x13: {  	[tilespmem:s11], [sflag:$0x1] =	stream.indirect.gather [hbm4b:s2+s7], $0x80, s10, s7, $0xb8;
	[tilespmem:$0x1C400] =	vst v63  }
0x14: {  	s12 =	simm.s32 $0x180;
	s13 =	simm.s32 $0xC400  }
0x15: {  	[tilespmem:s13], [sflag:$0x1] =	stream.indirect.gather [hbm4b:s2+s7], $0x80, s12, s7, $0xb8;
	[tilespmem:$0x1C400] =	vst v63  }
0x16: {  	s14 =	simm.s32 $0x200;
	s15 =	simm.s32 $0x10400  }
0x17: {  	[tilespmem:s15], [sflag:$0x1] =	stream.indirect.gather [hbm4b:s2+s7], $0x80, s14, s7, $0xb8;
	[tilespmem:$0x1C400] =	vst v63  }
0x18: {  	s16 =	simm.s32 $0x280;
	s17 =	simm.s32 $0x14400  }
0x19: {  	[tilespmem:s17], [sflag:$0x1] =	stream.indirect.gather [hbm4b:s2+s7], $0x80, s16, s7, $0xb8;
	[tilespmem:$0x1C400] =	vst v63  }
0x1a: {  	s18 =	simm.s32 $0x300;
	s19 =	simm.s32 $0x18400;
	s20 =	simm.s32 $0x1  }
0x1b: {  	[tilespmem:s19], [sflag:$0x1] =	stream.indirect.gather [hbm4b:s2+s7], $0x80, s18, s7, $0xb8;
	[tilespmem:$0x1C400] =	vst v63  }
0x1c: {  	_ =	swait.ge [sflag:s20], $0x4000  }
0x1d: {  	[sflag:s20] =	ssyncset.done $0x0  }
0x1e: {  	[sflag:s20] =	ssyncadd.s32 $0xFFFFC000  }
0x1f: {  	_ =	swait.ge [sflag:s20], $0x4000  }
0x20: {  	[sflag:s20] =	ssyncset.done $0x0  }
0x21: {  	[sflag:s20] =	ssyncadd.s32 $0xFFFFC000  }
0x22: {  	_ =	swait.ge [sflag:s20], $0x4000  }
0x23: {  	[sflag:s20] =	ssyncset.done $0x0  }
0x24: {  	[sflag:s20] =	ssyncadd.s32 $0xFFFFC000  }
0x25: {  	s24 =	smul.u32 $0x3800, s23;
	_ =	swait.ge [sflag:s20], $0x4000  }
0x26: {  	s25 =	sadd.s32 $0xE00, s21;
	[sflag:s20] =	ssyncset.done $0x0  }
0x27: {  	s21 =	sadd.s32 s25, s24;
	[sflag:s20] =	ssyncadd.s32 $0xFFFFC000  }
0x28: {  	[hbm4b:s21+s3] =	stream.linear.scatter [tilespmem:s8], [sflag:$0x2], $0x10000, $0x38;
	[tilespmem:$0x1C400] =	vst v63  }
0x29: {  	_ =	swait.ge [sflag:s20], $0x4000  }
0x2a: {  	[sflag:s20] =	ssyncset.done $0x0  }
0x2b: {  	s23 =	smul.u32 $0x1C000, s23;
	[sflag:s20] =	ssyncadd.s32 $0xFFFFC000  }
0x2c: {  	_ =	swait.ge [sflag:s20], $0x4000  }
0x2d: {  	s30 =	ssub.s32 $0x2, s22;
	s23 =	sshrl.u32 s23, $0x3;
	[sflag:s20] =	ssyncset.done $0x0  }
0x2e: {  	s31 =	sshrl.u32 s30, $0x1;
	s23 =	sadd.s32 s25, s23;
	[sflag:s20] =	ssyncadd.s32 $0xFFFFC000  }
0x2f: {  	s22 =	sadd.s32 $0x2000, s23;
	s23 =	ssub.s32 s30, s31;
	_ =	swait.ge [sflag:s20], $0x4000  }
0x30: {  	s23 =	smax.u32 s23, $0x1;
	[sflag:s20] =	ssyncset.done $0x0  }
0x31: {  	p0 =	sne.s32 s23, $0x1;
	[sflag:s20] =	ssyncadd.s32 $0xFFFFC000  }
0x32: {  	[hbm4b:s22+s3] =	stream.linear.scatter [tilespmem:s15], [sflag:$0x2], $0xC000, $0x38;
	[tilespmem:$0x1C400] =	vst v63  }
.Ltmp0:
0x33: {  	_ =	swait.ge [sflag:s6], $0x10000;
	(pc) =	sbr.rel @!p0 .LBB2_2-.Ltmp0, $4  }
0x34: {  	[sflag:s6] =	ssyncset.done $0x0  }
0x35: {  	[sflag:s6] =	ssyncadd.s32 $0xFFFF0000  }
0x36: {  	_ =	swait.ge [sflag:s6], $0xC000  }
0x37: {  	s23 =	sadd.s32 $0xFFFFFFFF, s23;
	[sflag:s6] =	ssyncset.done $0x0  }
.LBB2_1:
0x38: {  	p0 =	sne.s32 s23, $0x1;
	s23 =	sadd.s32 $0xFFFFFFFF, s23;
	[sflag:s6] =	ssyncadd.s32 $0xFFFF4000  }
0x39: {  	[tilespmem:s3], [sflag:$0x2] =	stream.linear.gather [hbm4b:s4+s3], $0x80, $0x38;
	[tilespmem:$0x1C400] =	vst v63  }
0x3a: {  	_ = 	snop  }
0x3b: {  	[tilespmem:s7], [sflag:$0x2] =	stream.linear.gather [hbm4b:s5+s3], $0x300, $0x38;
	[tilespmem:$0x1C400] =	vst v63  }
0x3c: {  	_ =	swait.ge [sflag:s6], $0x80  }
0x3d: {  	[sflag:s6] =	ssyncset.done $0x0  }
0x3e: {  	[sflag:s6] =	ssyncadd.s32 $0xFFFFFF80  }
0x3f: {  	[tilespmem:s8], [sflag:$0x1] =	stream.indirect.gather [hbm4b:s2+s7], $0x80, s3, s7, $0xb8;
	[tilespmem:$0x1C400] =	vst v63  }
0x40: {  	_ =	swait.ge [sflag:s6], $0x300  }
0x41: {  	[sflag:s6] =	ssyncset.done $0x0  }
0x42: {  	[sflag:s6] =	ssyncadd.s32 $0xFFFFFD00  }
0x43: {  	[tilespmem:s9], [sflag:$0x1] =	stream.indirect.gather [hbm4b:s2+s7], $0x80, s7, s7, $0xb8;
	[tilespmem:$0x1C400] =	vst v63  }
0x44: {  	_ = 	snop  }
0x45: {  	[tilespmem:s11], [sflag:$0x1] =	stream.indirect.gather [hbm4b:s2+s7], $0x80, s10, s7, $0xb8;
	[tilespmem:$0x1C400] =	vst v63  }
0x46: {  	_ = 	snop  }
0x47: {  	[tilespmem:s13], [sflag:$0x1] =	stream.indirect.gather [hbm4b:s2+s7], $0x80, s12, s7, $0xb8;
	[tilespmem:$0x1C400] =	vst v63  }
0x48: {  	_ = 	snop  }
0x49: {  	[tilespmem:s15], [sflag:$0x1] =	stream.indirect.gather [hbm4b:s2+s7], $0x80, s14, s7, $0xb8;
	[tilespmem:$0x1C400] =	vst v63  }
0x4a: {  	_ = 	snop  }
0x4b: {  	[tilespmem:s17], [sflag:$0x1] =	stream.indirect.gather [hbm4b:s2+s7], $0x80, s16, s7, $0xb8;
	[tilespmem:$0x1C400] =	vst v63  }
0x4c: {  	_ = 	snop  }
0x4d: {  	[tilespmem:s19], [sflag:$0x1] =	stream.indirect.gather [hbm4b:s2+s7], $0x80, s18, s7, $0xb8;
	[tilespmem:$0x1C400] =	vst v63  }
0x4e: {  	_ =	swait.ge [sflag:s20], $0x4000  }
0x4f: {  	[sflag:s20] =	ssyncset.done $0x0  }
0x50: {  	[sflag:s20] =	ssyncadd.s32 $0xFFFFC000  }
0x51: {  	_ =	swait.ge [sflag:s20], $0x4000  }
0x52: {  	[sflag:s20] =	ssyncset.done $0x0  }
0x53: {  	[sflag:s20] =	ssyncadd.s32 $0xFFFFC000  }
0x54: {  	_ =	swait.ge [sflag:s20], $0x4000  }
0x55: {  	[sflag:s20] =	ssyncset.done $0x0  }
0x56: {  	[sflag:s20] =	ssyncadd.s32 $0xFFFFC000  }
0x57: {  	_ =	swait.ge [sflag:s20], $0x4000  }
0x58: {  	[sflag:s20] =	ssyncset.done $0x0  }
0x59: {  	[sflag:s20] =	ssyncadd.s32 $0xFFFFC000  }
0x5a: {  	[hbm4b:s21+s3] =	stream.linear.scatter [tilespmem:s8], [sflag:$0x2], $0x10000, $0x38;
	[tilespmem:$0x1C400] =	vst v63  }
0x5b: {  	_ =	swait.ge [sflag:s20], $0x4000  }
0x5c: {  	[sflag:s20] =	ssyncset.done $0x0  }
0x5d: {  	[sflag:s20] =	ssyncadd.s32 $0xFFFFC000  }
0x5e: {  	_ =	swait.ge [sflag:s20], $0x4000  }
0x5f: {  	[sflag:s20] =	ssyncset.done $0x0  }
0x60: {  	[sflag:s20] =	ssyncadd.s32 $0xFFFFC000  }
0x61: {  	_ =	swait.ge [sflag:s20], $0x4000  }
0x62: {  	[sflag:s20] =	ssyncset.done $0x0  }
0x63: {  	[sflag:s20] =	ssyncadd.s32 $0xFFFFC000  }
0x64: {  	[hbm4b:s22+s3] =	stream.linear.scatter [tilespmem:s15], [sflag:$0x2], $0xC000, $0x38;
	[tilespmem:$0x1C400] =	vst v63  }
.Ltmp1:
0x65: {  	_ =	swait.ge [sflag:s6], $0x10000;
	(pc) =	sbr.rel @p0 .LBB2_1-.Ltmp1, $4  }
0x66: {  	[sflag:s6] =	ssyncset.done $0x0  }
0x67: {  	[sflag:s6] =	ssyncadd.s32 $0xFFFF0000  }
0x68: {  	_ =	swait.ge [sflag:s6], $0xC000  }
0x69: {  	[sflag:s6] =	ssyncset.done $0x0  }
.LBB2_2:
0x6a: {  	[sflag:s6] =	ssyncadd.s32 $0xFFFF4000  }
0x6b: {  	_ =	sfence.sel $0x180000  }
0x6c: {  	[bflag:$0x0] =	sbarrier.arrive $0xFFFF  }
0x6d: {  	p0 =	sne.s32 s0, $0x0;
	_ =	strace $0x90000047  }
0x6e: {  	s0 =	sadd.s32 @!p0 $0x100000, s1;
	[bflag:$0x2] =	sbarrier.arrive $0xFFFF  }
0x6f: {  	[sflag:s0] =	ssyncadd.tile.s32 @!p0 $0x1;
	_ =	shalt  }
.Lfunc_end2:
_tile_overlayer_lowered:
.L_overlay_start_2:
0x70: {  	(tag) =	ssettag $0x2  }
0x71: {  	s0 =	rddreg [dreg:$0x0];
	s2 =	stileid.u32  }
0x72: {  	s1 =	rddreg [dreg:$0x1];
	p0 =	sne.s32 s2, $0x0  }
0x73: {  	s3 =	rddreg [dreg:$0x2];
	[bflag:$0x3] =	sbarrier.arrive $0xFFFF;
	s2 =	simm.s32 @!p0 $0x1C03  }
0x74: {  	[timem:s3], [sflag:s2] =	dma.local @!p0 [hbm:s0], s1  }
0x75: {  	s0 =	simm.s32 @!p0 $0x3  }
0x76: {  	_ =	swait.ge @!p0 [sflag:s0], s1  }
0x77: {  	s1 =	ssub.s32 @!p0 $0x0, s1;
	[sflag:s0] =	ssyncset.done @!p0 $0x0  }
0x78: {  	[sflag:s0] =	ssyncadd.s32 @!p0 s1  }
0x79: {  	[bflag:$0x3] =	sbarrier.arrive $0xFFFF  }
0x7a: {  	_ =	shalt  }

</sc_bundles>
